<compile_context>
chip_gen: v7x
topology: tpu7x:2x2x1
jax: 0.10.2.dev20260603
libtpu: 0.0.44.dev20260713+nightly
codegen_flags: <defaults>
</compile_context>

<pallas_src>
import functools

import numpy as np
import jax
import jax.numpy as jnp
from jax import lax
from jax.experimental import pallas as pl
from jax.experimental.pallas import tpu as pltpu
from jax.experimental.pallas import tpu_sc as plsc

_B, _L, _D = 128, 576, 1024
_K = _L // 2
_N = _B * _K
_NW = 32
_EPT = _N // _NW
_CHUNK = _B
_NCH = _EPT // _CHUNK


def _keep_flat_indices():
    with jax.default_device(jax.local_devices(backend="cpu")[0]):
        noise = jax.random.normal(
            jax.random.key(42), (_B, _L), dtype=jnp.float32)
        ids = np.asarray(jnp.argsort(noise, axis=1)[:, :_K], dtype=np.int64)
    b = np.arange(_B, dtype=np.int64)[:, None]
    offs = b * (_L * _D) + (ids // 8) * (8 * _D) + (ids % 8) * 128
    idx = np.zeros((_NW, 16, _CHUNK), dtype=np.int32)
    idx[:, :_NCH, :] = offs.T.reshape(_NW, _NCH, _CHUNK)
    return idx


_IDX = _keep_flat_indices()


def _gather_body(table_hbm, idx_hbm, out_hbm, idx_v, out_v, sem):
    wid = lax.axis_index("s") * 2 + lax.axis_index("c")
    pltpu.sync_copy(idx_hbm.at[wid], idx_v)
    copies = [
        pltpu.async_copy(table_hbm.at[idx_v.at[j]],
                         out_v.at[pl.ds(j * _CHUNK, _CHUNK)], sem)
        for j in range(_NCH)
    ]
    for c in copies:
        c.wait()
    pltpu.sync_copy(out_v, out_hbm.at[pl.ds(wid * _EPT, _EPT)])


@functools.lru_cache(maxsize=None)
def _gather():
    return functools.partial(
        pl.kernel,
        mesh=plsc.VectorSubcoreMesh(core_axis_name="c", subcore_axis_name="s"),
        out_type=jax.ShapeDtypeStruct((_N,), jnp.float32),
        scratch_types=[
            pltpu.VMEM((16, _CHUNK), jnp.int32),
            pltpu.VMEM((_EPT,), jnp.float32),
            pltpu.SemaphoreType.DMA,
        ],
    )(_gather_body)


def kernel(image_features):
    tiles = image_features.reshape(_B, _L // 8, 8, _D // 128, 128)
    table = tiles.transpose(0, 1, 3, 2, 4).reshape(_B * _L * _D)
    z = _gather()(table, _IDX)
    return z.reshape(_K, 1, _B).transpose(2, 0, 1)

# --- scband reference (transcript-rebuilt; emitter-appended) ---
"""Pipeline reference for scband-masked-drop-3195455668626 (READ-ONLY COPY).

The authoritative reference and input builder live on the scoring server;
editing this copy changes nothing except your own understanding.
"""

import jax, jax.numpy as jnp
import numpy as np

RATIO = 0.5

def setup_inputs(seed: int = 0) -> dict:
    key = jax.random.key(seed)
    image_features = jax.random.normal(key, (128, 576, 1024), dtype=jnp.float32)
    return {"image_features": image_features}

def reference(image_features):
    # training-mode path, mode='fixed', skip_percentage=0.0 (never skips).
    # Per-sample random masking via argsort of per-sample gaussian noise.
    # NOTE: the torch code calls torch.gather(x, 1, ids_keep.unsqueeze(-1)) WITHOUT
    # repeating the index across the feature dim, so torch.gather's output shape
    # equals the index shape [1, num_keep, 1] -- only feature channel 0 is gathered.
    # We replicate that exact semantics here.
    B, L, D = image_features.shape
    num_keep = int(L * RATIO)
    noise = jax.random.normal(jax.random.key(42), (B, L), dtype=jnp.float32)
    ids_shuffle = jnp.argsort(noise, axis=1)           # [B, L]
    ids_keep = ids_shuffle[:, :num_keep]               # [B, num_keep]
    # torch.gather(dim=1) with index [B, num_keep, 1]: out[b, j, 0] = x[b, ids_keep[b, j], 0]
    x_masked = jnp.take_along_axis(image_features[:, :, 0:1], ids_keep[:, :, None], axis=1)  # [B, num_keep, 1]
    # mode 'fixed' with tensor (non-list) input -> torch.stack over batch (already batched here)
    return x_masked

if __name__ == "__main__":
    import jax
    _d = setup_inputs()
    print(jax.jit(kernel)(*tuple(_d.values())))

</pallas_src>

<mosaic_0001>
#map = affine_map<(d0, d1) -> (0)>
#map1 = affine_map<(d0, d1) -> (0, 0, 0)>
module attributes {stable_mosaic.version = 14 : i64} {
  func.func @_gather_body(%arg0: i32, %arg1: i32, %arg2: memref<75497472xf32, #tpu.memory_space<hbm>>, %arg3: memref<32x16x128xi32, #tpu.memory_space<hbm>>, %arg4: memref<36864xf32, #tpu.memory_space<hbm>>, %arg5: memref<16x128xi32, #tpu.memory_space<vmem>>, %arg6: memref<1152xf32, #tpu.memory_space<vmem>>, %arg7: memref<!tpu.dma_semaphore, #tpu.memory_space<semaphore_mem>>) attributes {dimension_semantics = [#tpu.dimension_semantics<core_parallel>, #tpu.dimension_semantics<subcore_parallel>], iteration_bounds = array<i64: 2, 16>, scalar_prefetch = 0 : i64, scratch_operands = 3 : i64, tpu.core_type = #tpu.core_type<sc_vector_subcore>, window_params = [{transform_indices = #map}, {transform_indices = #map1}, {transform_indices = #map}]} {
    %mul3A = arith.constant 2 : i32
    %mul3A_0 = arith.muli %arg1, %mul3A : i32
    %add3A = arith.addi %mul3A_0, %arg0 : i32
    "tpu.region"() ({
      %run_scoped3A = tpu.sem_alloc : memref<!tpu.dma_semaphore, #tpu.memory_space<semaphore_mem>>
      %dma_start3A_145 = arith.constant 0 : i32
      %dma_start3A_146 = arith.constant 0 : i32
      %dma_start3A_147 = tpu.memref_slice %arg3[%add3A, %dma_start3A_145, %dma_start3A_146] : memref<32x16x128xi32, #tpu.memory_space<hbm>> -> memref<1x16x128xi32, #tpu.memory_space<hbm>>
      %dma_start3A_148 = tpu.memref_squeeze %dma_start3A_147 : memref<1x16x128xi32, #tpu.memory_space<hbm>> -> memref<16x128xi32, #tpu.memory_space<hbm>>
      %dma_start3A_149 = arith.constant 0 : i32
      %dma_start3A_150 = arith.constant 0 : i32
      %dma_start3A_151 = tpu.memref_slice %arg3[%add3A, %dma_start3A_149, %dma_start3A_150] : memref<32x16x128xi32, #tpu.memory_space<hbm>> -> memref<1x16x128xi32, #tpu.memory_space<hbm>>
      %dma_start3A_152 = tpu.memref_squeeze %dma_start3A_151 : memref<1x16x128xi32, #tpu.memory_space<hbm>> -> memref<16x128xi32, #tpu.memory_space<hbm>>
      tpu.enqueue_dma source(%dma_start3A_152 : memref<16x128xi32, #tpu.memory_space<hbm>>) target(%arg5 : memref<16x128xi32, #tpu.memory_space<vmem>>) target_semaphore(%run_scoped3A : memref<!tpu.dma_semaphore, #tpu.memory_space<semaphore_mem>>)
      %dma_wait3A_153 = arith.constant 0 : i32
      %dma_wait3A_154 = arith.constant 0 : i32
      %dma_wait3A_155 = tpu.memref_slice %arg3[%add3A, %dma_wait3A_153, %dma_wait3A_154] : memref<32x16x128xi32, #tpu.memory_space<hbm>> -> memref<1x16x128xi32, #tpu.memory_space<hbm>>
      %dma_wait3A_156 = tpu.memref_squeeze %dma_wait3A_155 : memref<1x16x128xi32, #tpu.memory_space<hbm>> -> memref<16x128xi32, #tpu.memory_space<hbm>>
      %dma_wait3A_157 = arith.constant 0 : i32
      %dma_wait3A_158 = arith.constant 0 : i32
      %dma_wait3A_159 = tpu.memref_slice %arg3[%add3A, %dma_wait3A_157, %dma_wait3A_158] : memref<32x16x128xi32, #tpu.memory_space<hbm>> -> memref<1x16x128xi32, #tpu.memory_space<hbm>>
      %dma_wait3A_160 = tpu.memref_squeeze %dma_wait3A_159 : memref<1x16x128xi32, #tpu.memory_space<hbm>> -> memref<16x128xi32, #tpu.memory_space<hbm>>
      tpu.wait_dma2 semaphore(%run_scoped3A : memref<!tpu.dma_semaphore, #tpu.memory_space<semaphore_mem>>) src(%dma_wait3A_160 : memref<16x128xi32, #tpu.memory_space<hbm>>) dst(%arg5 : memref<16x128xi32, #tpu.memory_space<vmem>>)
      tpu.yield
    }) : () -> ()
    %dma_start3A = arith.constant 0 : i32
    %dma_start3A_1 = arith.constant 0 : i32
    %dma_start3A_2 = tpu.memref_slice %arg6[%dma_start3A_1] : memref<1152xf32, #tpu.memory_space<vmem>> -> memref<128xf32, #tpu.memory_space<vmem>>
    %dma_start3A_3 = arith.constant 0 : i32
    %dma_start3A_4 = tpu.memref_slice %arg5[%dma_start3A, %dma_start3A_3] : memref<16x128xi32, #tpu.memory_space<vmem>> -> memref<1x128xi32, #tpu.memory_space<vmem>>
    %dma_start3A_5 = tpu.memref_squeeze %dma_start3A_4 : memref<1x128xi32, #tpu.memory_space<vmem>> -> memref<128xi32, #tpu.memory_space<vmem>>
    %dma_start3A_6 = arith.constant 0 : i32
    %dma_start3A_7 = tpu.memref_slice %arg2[%dma_start3A_6] : memref<75497472xf32, #tpu.memory_space<hbm>> -> memref<75497472xf32, #tpu.memory_space<hbm>>
    tpu.enqueue_indirect_dma source(%dma_start3A_7 : memref<75497472xf32, #tpu.memory_space<hbm>>) target(%dma_start3A_2 : memref<128xf32, #tpu.memory_space<vmem>>) offsets(%dma_start3A_5 : memref<128xi32, #tpu.memory_space<vmem>>) semaphore(%arg7 : memref<!tpu.dma_semaphore, #tpu.memory_space<semaphore_mem>>)
    %dma_start3A_8 = arith.constant 1 : i32
    %dma_start3A_9 = arith.constant 128 : i32
    %dma_start3A_10 = tpu.memref_slice %arg6[%dma_start3A_9] : memref<1152xf32, #tpu.memory_space<vmem>> -> memref<128xf32, #tpu.memory_space<vmem>>
    %dma_start3A_11 = arith.constant 0 : i32
    %dma_start3A_12 = tpu.memref_slice %arg5[%dma_start3A_8, %dma_start3A_11] : memref<16x128xi32, #tpu.memory_space<vmem>> -> memref<1x128xi32, #tpu.memory_space<vmem>>
    %dma_start3A_13 = tpu.memref_squeeze %dma_start3A_12 : memref<1x128xi32, #tpu.memory_space<vmem>> -> memref<128xi32, #tpu.memory_space<vmem>>
    %dma_start3A_14 = arith.constant 0 : i32
    %dma_start3A_15 = tpu.memref_slice %arg2[%dma_start3A_14] : memref<75497472xf32, #tpu.memory_space<hbm>> -> memref<75497472xf32, #tpu.memory_space<hbm>>
    tpu.enqueue_indirect_dma source(%dma_start3A_15 : memref<75497472xf32, #tpu.memory_space<hbm>>) target(%dma_start3A_10 : memref<128xf32, #tpu.memory_space<vmem>>) offsets(%dma_start3A_13 : memref<128xi32, #tpu.memory_space<vmem>>) semaphore(%arg7 : memref<!tpu.dma_semaphore, #tpu.memory_space<semaphore_mem>>)
    %dma_start3A_16 = arith.constant 2 : i32
    %dma_start3A_17 = arith.constant 256 : i32
    %dma_start3A_18 = tpu.memref_slice %arg6[%dma_start3A_17] : memref<1152xf32, #tpu.memory_space<vmem>> -> memref<128xf32, #tpu.memory_space<vmem>>
    %dma_start3A_19 = arith.constant 0 : i32
    %dma_start3A_20 = tpu.memref_slice %arg5[%dma_start3A_16, %dma_start3A_19] : memref<16x128xi32, #tpu.memory_space<vmem>> -> memref<1x128xi32, #tpu.memory_space<vmem>>
    %dma_start3A_21 = tpu.memref_squeeze %dma_start3A_20 : memref<1x128xi32, #tpu.memory_space<vmem>> -> memref<128xi32, #tpu.memory_space<vmem>>
    %dma_start3A_22 = arith.constant 0 : i32
    %dma_start3A_23 = tpu.memref_slice %arg2[%dma_start3A_22] : memref<75497472xf32, #tpu.memory_space<hbm>> -> memref<75497472xf32, #tpu.memory_space<hbm>>
    tpu.enqueue_indirect_dma source(%dma_start3A_23 : memref<75497472xf32, #tpu.memory_space<hbm>>) target(%dma_start3A_18 : memref<128xf32, #tpu.memory_space<vmem>>) offsets(%dma_start3A_21 : memref<128xi32, #tpu.memory_space<vmem>>) semaphore(%arg7 : memref<!tpu.dma_semaphore, #tpu.memory_space<semaphore_mem>>)
    %dma_start3A_24 = arith.constant 3 : i32
    %dma_start3A_25 = arith.constant 384 : i32
    %dma_start3A_26 = tpu.memref_slice %arg6[%dma_start3A_25] : memref<1152xf32, #tpu.memory_space<vmem>> -> memref<128xf32, #tpu.memory_space<vmem>>
    %dma_start3A_27 = arith.constant 0 : i32
    %dma_start3A_28 = tpu.memref_slice %arg5[%dma_start3A_24, %dma_start3A_27] : memref<16x128xi32, #tpu.memory_space<vmem>> -> memref<1x128xi32, #tpu.memory_space<vmem>>
    %dma_start3A_29 = tpu.memref_squeeze %dma_start3A_28 : memref<1x128xi32, #tpu.memory_space<vmem>> -> memref<128xi32, #tpu.memory_space<vmem>>
    %dma_start3A_30 = arith.constant 0 : i32
    %dma_start3A_31 = tpu.memref_slice %arg2[%dma_start3A_30] : memref<75497472xf32, #tpu.memory_space<hbm>> -> memref<75497472xf32, #tpu.memory_space<hbm>>
    tpu.enqueue_indirect_dma source(%dma_start3A_31 : memref<75497472xf32, #tpu.memory_space<hbm>>) target(%dma_start3A_26 : memref<128xf32, #tpu.memory_space<vmem>>) offsets(%dma_start3A_29 : memref<128xi32, #tpu.memory_space<vmem>>) semaphore(%arg7 : memref<!tpu.dma_semaphore, #tpu.memory_space<semaphore_mem>>)
    %dma_start3A_32 = arith.constant 4 : i32
    %dma_start3A_33 = arith.constant 512 : i32
    %dma_start3A_34 = tpu.memref_slice %arg6[%dma_start3A_33] : memref<1152xf32, #tpu.memory_space<vmem>> -> memref<128xf32, #tpu.memory_space<vmem>>
    %dma_start3A_35 = arith.constant 0 : i32
    %dma_start3A_36 = tpu.memref_slice %arg5[%dma_start3A_32, %dma_start3A_35] : memref<16x128xi32, #tpu.memory_space<vmem>> -> memref<1x128xi32, #tpu.memory_space<vmem>>
    %dma_start3A_37 = tpu.memref_squeeze %dma_start3A_36 : memref<1x128xi32, #tpu.memory_space<vmem>> -> memref<128xi32, #tpu.memory_space<vmem>>
    %dma_start3A_38 = arith.constant 0 : i32
    %dma_start3A_39 = tpu.memref_slice %arg2[%dma_start3A_38] : memref<75497472xf32, #tpu.memory_space<hbm>> -> memref<75497472xf32, #tpu.memory_space<hbm>>
    tpu.enqueue_indirect_dma source(%dma_start3A_39 : memref<75497472xf32, #tpu.memory_space<hbm>>) target(%dma_start3A_34 : memref<128xf32, #tpu.memory_space<vmem>>) offsets(%dma_start3A_37 : memref<128xi32, #tpu.memory_space<vmem>>) semaphore(%arg7 : memref<!tpu.dma_semaphore, #tpu.memory_space<semaphore_mem>>)
    %dma_start3A_40 = arith.constant 5 : i32
    %dma_start3A_41 = arith.constant 640 : i32
    %dma_start3A_42 = tpu.memref_slice %arg6[%dma_start3A_41] : memref<1152xf32, #tpu.memory_space<vmem>> -> memref<128xf32, #tpu.memory_space<vmem>>
    %dma_start3A_43 = arith.constant 0 : i32
    %dma_start3A_44 = tpu.memref_slice %arg5[%dma_start3A_40, %dma_start3A_43] : memref<16x128xi32, #tpu.memory_space<vmem>> -> memref<1x128xi32, #tpu.memory_space<vmem>>
    %dma_start3A_45 = tpu.memref_squeeze %dma_start3A_44 : memref<1x128xi32, #tpu.memory_space<vmem>> -> memref<128xi32, #tpu.memory_space<vmem>>
    %dma_start3A_46 = arith.constant 0 : i32
    %dma_start3A_47 = tpu.memref_slice %arg2[%dma_start3A_46] : memref<75497472xf32, #tpu.memory_space<hbm>> -> memref<75497472xf32, #tpu.memory_space<hbm>>
    tpu.enqueue_indirect_dma source(%dma_start3A_47 : memref<75497472xf32, #tpu.memory_space<hbm>>) target(%dma_start3A_42 : memref<128xf32, #tpu.memory_space<vmem>>) offsets(%dma_start3A_45 : memref<128xi32, #tpu.memory_space<vmem>>) semaphore(%arg7 : memref<!tpu.dma_semaphore, #tpu.memory_space<semaphore_mem>>)
    %dma_start3A_48 = arith.constant 6 : i32
    %dma_start3A_49 = arith.constant 768 : i32
    %dma_start3A_50 = tpu.memref_slice %arg6[%dma_start3A_49] : memref<1152xf32, #tpu.memory_space<vmem>> -> memref<128xf32, #tpu.memory_space<vmem>>
    %dma_start3A_51 = arith.constant 0 : i32
    %dma_start3A_52 = tpu.memref_slice %arg5[%dma_start3A_48, %dma_start3A_51] : memref<16x128xi32, #tpu.memory_space<vmem>> -> memref<1x128xi32, #tpu.memory_space<vmem>>
    %dma_start3A_53 = tpu.memref_squeeze %dma_start3A_52 : memref<1x128xi32, #tpu.memory_space<vmem>> -> memref<128xi32, #tpu.memory_space<vmem>>
    %dma_start3A_54 = arith.constant 0 : i32
    %dma_start3A_55 = tpu.memref_slice %arg2[%dma_start3A_54] : memref<75497472xf32, #tpu.memory_space<hbm>> -> memref<75497472xf32, #tpu.memory_space<hbm>>
    tpu.enqueue_indirect_dma source(%dma_start3A_55 : memref<75497472xf32, #tpu.memory_space<hbm>>) target(%dma_start3A_50 : memref<128xf32, #tpu.memory_space<vmem>>) offsets(%dma_start3A_53 : memref<128xi32, #tpu.memory_space<vmem>>) semaphore(%arg7 : memref<!tpu.dma_semaphore, #tpu.memory_space<semaphore_mem>>)
    %dma_start3A_56 = arith.constant 7 : i32
    %dma_start3A_57 = arith.constant 896 : i32
    %dma_start3A_58 = tpu.memref_slice %arg6[%dma_start3A_57] : memref<1152xf32, #tpu.memory_space<vmem>> -> memref<128xf32, #tpu.memory_space<vmem>>
    %dma_start3A_59 = arith.constant 0 : i32
    %dma_start3A_60 = tpu.memref_slice %arg5[%dma_start3A_56, %dma_start3A_59] : memref<16x128xi32, #tpu.memory_space<vmem>> -> memref<1x128xi32, #tpu.memory_space<vmem>>
    %dma_start3A_61 = tpu.memref_squeeze %dma_start3A_60 : memref<1x128xi32, #tpu.memory_space<vmem>> -> memref<128xi32, #tpu.memory_space<vmem>>
    %dma_start3A_62 = arith.constant 0 : i32
    %dma_start3A_63 = tpu.memref_slice %arg2[%dma_start3A_62] : memref<75497472xf32, #tpu.memory_space<hbm>> -> memref<75497472xf32, #tpu.memory_space<hbm>>
    tpu.enqueue_indirect_dma source(%dma_start3A_63 : memref<75497472xf32, #tpu.memory_space<hbm>>) target(%dma_start3A_58 : memref<128xf32, #tpu.memory_space<vmem>>) offsets(%dma_start3A_61 : memref<128xi32, #tpu.memory_space<vmem>>) semaphore(%arg7 : memref<!tpu.dma_semaphore, #tpu.memory_space<semaphore_mem>>)
    %dma_start3A_64 = arith.constant 8 : i32
    %dma_start3A_65 = arith.constant 1024 : i32
    %dma_start3A_66 = tpu.memref_slice %arg6[%dma_start3A_65] : memref<1152xf32, #tpu.memory_space<vmem>> -> memref<128xf32, #tpu.memory_space<vmem>>
    %dma_start3A_67 = arith.constant 0 : i32
    %dma_start3A_68 = tpu.memref_slice %arg5[%dma_start3A_64, %dma_start3A_67] : memref<16x128xi32, #tpu.memory_space<vmem>> -> memref<1x128xi32, #tpu.memory_space<vmem>>
    %dma_start3A_69 = tpu.memref_squeeze %dma_start3A_68 : memref<1x128xi32, #tpu.memory_space<vmem>> -> memref<128xi32, #tpu.memory_space<vmem>>
    %dma_start3A_70 = arith.constant 0 : i32
    %dma_start3A_71 = tpu.memref_slice %arg2[%dma_start3A_70] : memref<75497472xf32, #tpu.memory_space<hbm>> -> memref<75497472xf32, #tpu.memory_space<hbm>>
    tpu.enqueue_indirect_dma source(%dma_start3A_71 : memref<75497472xf32, #tpu.memory_space<hbm>>) target(%dma_start3A_66 : memref<128xf32, #tpu.memory_space<vmem>>) offsets(%dma_start3A_69 : memref<128xi32, #tpu.memory_space<vmem>>) semaphore(%arg7 : memref<!tpu.dma_semaphore, #tpu.memory_space<semaphore_mem>>)
    %dma_wait3A = arith.constant 0 : i32
    %dma_wait3A_72 = arith.constant 0 : i32
    %dma_wait3A_73 = tpu.memref_slice %arg6[%dma_wait3A_72] : memref<1152xf32, #tpu.memory_space<vmem>> -> memref<128xf32, #tpu.memory_space<vmem>>
    %dma_wait3A_74 = arith.constant 0 : i32
    %dma_wait3A_75 = tpu.memref_slice %arg5[%dma_wait3A, %dma_wait3A_74] : memref<16x128xi32, #tpu.memory_space<vmem>> -> memref<1x128xi32, #tpu.memory_space<vmem>>
    %dma_wait3A_76 = tpu.memref_squeeze %dma_wait3A_75 : memref<1x128xi32, #tpu.memory_space<vmem>> -> memref<128xi32, #tpu.memory_space<vmem>>
    %dma_wait3A_77 = arith.constant 0 : i32
    %dma_wait3A_78 = tpu.memref_slice %arg2[%dma_wait3A_77] : memref<75497472xf32, #tpu.memory_space<hbm>> -> memref<75497472xf32, #tpu.memory_space<hbm>>
    tpu.wait_indirect_dma semaphore(%arg7 : memref<!tpu.dma_semaphore, #tpu.memory_space<semaphore_mem>>) src(%dma_wait3A_78 : memref<75497472xf32, #tpu.memory_space<hbm>>) dst(%dma_wait3A_73 : memref<128xf32, #tpu.memory_space<vmem>>)
    %dma_wait3A_79 = arith.constant 1 : i32
    %dma_wait3A_80 = arith.constant 128 : i32
    %dma_wait3A_81 = tpu.memref_slice %arg6[%dma_wait3A_80] : memref<1152xf32, #tpu.memory_space<vmem>> -> memref<128xf32, #tpu.memory_space<vmem>>
    %dma_wait3A_82 = arith.constant 0 : i32
    %dma_wait3A_83 = tpu.memref_slice %arg5[%dma_wait3A_79, %dma_wait3A_82] : memref<16x128xi32, #tpu.memory_space<vmem>> -> memref<1x128xi32, #tpu.memory_space<vmem>>
    %dma_wait3A_84 = tpu.memref_squeeze %dma_wait3A_83 : memref<1x128xi32, #tpu.memory_space<vmem>> -> memref<128xi32, #tpu.memory_space<vmem>>
    %dma_wait3A_85 = arith.constant 0 : i32
    %dma_wait3A_86 = tpu.memref_slice %arg2[%dma_wait3A_85] : memref<75497472xf32, #tpu.memory_space<hbm>> -> memref<75497472xf32, #tpu.memory_space<hbm>>
    tpu.wait_indirect_dma semaphore(%arg7 : memref<!tpu.dma_semaphore, #tpu.memory_space<semaphore_mem>>) src(%dma_wait3A_86 : memref<75497472xf32, #tpu.memory_space<hbm>>) dst(%dma_wait3A_81 : memref<128xf32, #tpu.memory_space<vmem>>)
    %dma_wait3A_87 = arith.constant 2 : i32
    %dma_wait3A_88 = arith.constant 256 : i32
    %dma_wait3A_89 = tpu.memref_slice %arg6[%dma_wait3A_88] : memref<1152xf32, #tpu.memory_space<vmem>> -> memref<128xf32, #tpu.memory_space<vmem>>
    %dma_wait3A_90 = arith.constant 0 : i32
    %dma_wait3A_91 = tpu.memref_slice %arg5[%dma_wait3A_87, %dma_wait3A_90] : memref<16x128xi32, #tpu.memory_space<vmem>> -> memref<1x128xi32, #tpu.memory_space<vmem>>
    %dma_wait3A_92 = tpu.memref_squeeze %dma_wait3A_91 : memref<1x128xi32, #tpu.memory_space<vmem>> -> memref<128xi32, #tpu.memory_space<vmem>>
    %dma_wait3A_93 = arith.constant 0 : i32
    %dma_wait3A_94 = tpu.memref_slice %arg2[%dma_wait3A_93] : memref<75497472xf32, #tpu.memory_space<hbm>> -> memref<75497472xf32, #tpu.memory_space<hbm>>
    tpu.wait_indirect_dma semaphore(%arg7 : memref<!tpu.dma_semaphore, #tpu.memory_space<semaphore_mem>>) src(%dma_wait3A_94 : memref<75497472xf32, #tpu.memory_space<hbm>>) dst(%dma_wait3A_89 : memref<128xf32, #tpu.memory_space<vmem>>)
    %dma_wait3A_95 = arith.constant 3 : i32
    %dma_wait3A_96 = arith.constant 384 : i32
    %dma_wait3A_97 = tpu.memref_slice %arg6[%dma_wait3A_96] : memref<1152xf32, #tpu.memory_space<vmem>> -> memref<128xf32, #tpu.memory_space<vmem>>
    %dma_wait3A_98 = arith.constant 0 : i32
    %dma_wait3A_99 = tpu.memref_slice %arg5[%dma_wait3A_95, %dma_wait3A_98] : memref<16x128xi32, #tpu.memory_space<vmem>> -> memref<1x128xi32, #tpu.memory_space<vmem>>
    %dma_wait3A_100 = tpu.memref_squeeze %dma_wait3A_99 : memref<1x128xi32, #tpu.memory_space<vmem>> -> memref<128xi32, #tpu.memory_space<vmem>>
    %dma_wait3A_101 = arith.constant 0 : i32
    %dma_wait3A_102 = tpu.memref_slice %arg2[%dma_wait3A_101] : memref<75497472xf32, #tpu.memory_space<hbm>> -> memref<75497472xf32, #tpu.memory_space<hbm>>
    tpu.wait_indirect_dma semaphore(%arg7 : memref<!tpu.dma_semaphore, #tpu.memory_space<semaphore_mem>>) src(%dma_wait3A_102 : memref<75497472xf32, #tpu.memory_space<hbm>>) dst(%dma_wait3A_97 : memref<128xf32, #tpu.memory_space<vmem>>)
    %dma_wait3A_103 = arith.constant 4 : i32
    %dma_wait3A_104 = arith.constant 512 : i32
    %dma_wait3A_105 = tpu.memref_slice %arg6[%dma_wait3A_104] : memref<1152xf32, #tpu.memory_space<vmem>> -> memref<128xf32, #tpu.memory_space<vmem>>
    %dma_wait3A_106 = arith.constant 0 : i32
    %dma_wait3A_107 = tpu.memref_slice %arg5[%dma_wait3A_103, %dma_wait3A_106] : memref<16x128xi32, #tpu.memory_space<vmem>> -> memref<1x128xi32, #tpu.memory_space<vmem>>
    %dma_wait3A_108 = tpu.memref_squeeze %dma_wait3A_107 : memref<1x128xi32, #tpu.memory_space<vmem>> -> memref<128xi32, #tpu.memory_space<vmem>>
    %dma_wait3A_109 = arith.constant 0 : i32
    %dma_wait3A_110 = tpu.memref_slice %arg2[%dma_wait3A_109] : memref<75497472xf32, #tpu.memory_space<hbm>> -> memref<75497472xf32, #tpu.memory_space<hbm>>
    tpu.wait_indirect_dma semaphore(%arg7 : memref<!tpu.dma_semaphore, #tpu.memory_space<semaphore_mem>>) src(%dma_wait3A_110 : memref<75497472xf32, #tpu.memory_space<hbm>>) dst(%dma_wait3A_105 : memref<128xf32, #tpu.memory_space<vmem>>)
    %dma_wait3A_111 = arith.constant 5 : i32
    %dma_wait3A_112 = arith.constant 640 : i32
    %dma_wait3A_113 = tpu.memref_slice %arg6[%dma_wait3A_112] : memref<1152xf32, #tpu.memory_space<vmem>> -> memref<128xf32, #tpu.memory_space<vmem>>
    %dma_wait3A_114 = arith.constant 0 : i32
    %dma_wait3A_115 = tpu.memref_slice %arg5[%dma_wait3A_111, %dma_wait3A_114] : memref<16x128xi32, #tpu.memory_space<vmem>> -> memref<1x128xi32, #tpu.memory_space<vmem>>
    %dma_wait3A_116 = tpu.memref_squeeze %dma_wait3A_115 : memref<1x128xi32, #tpu.memory_space<vmem>> -> memref<128xi32, #tpu.memory_space<vmem>>
    %dma_wait3A_117 = arith.constant 0 : i32
    %dma_wait3A_118 = tpu.memref_slice %arg2[%dma_wait3A_117] : memref<75497472xf32, #tpu.memory_space<hbm>> -> memref<75497472xf32, #tpu.memory_space<hbm>>
    tpu.wait_indirect_dma semaphore(%arg7 : memref<!tpu.dma_semaphore, #tpu.memory_space<semaphore_mem>>) src(%dma_wait3A_118 : memref<75497472xf32, #tpu.memory_space<hbm>>) dst(%dma_wait3A_113 : memref<128xf32, #tpu.memory_space<vmem>>)
    %dma_wait3A_119 = arith.constant 6 : i32
    %dma_wait3A_120 = arith.constant 768 : i32
    %dma_wait3A_121 = tpu.memref_slice %arg6[%dma_wait3A_120] : memref<1152xf32, #tpu.memory_space<vmem>> -> memref<128xf32, #tpu.memory_space<vmem>>
    %dma_wait3A_122 = arith.constant 0 : i32
    %dma_wait3A_123 = tpu.memref_slice %arg5[%dma_wait3A_119, %dma_wait3A_122] : memref<16x128xi32, #tpu.memory_space<vmem>> -> memref<1x128xi32, #tpu.memory_space<vmem>>
    %dma_wait3A_124 = tpu.memref_squeeze %dma_wait3A_123 : memref<1x128xi32, #tpu.memory_space<vmem>> -> memref<128xi32, #tpu.memory_space<vmem>>
    %dma_wait3A_125 = arith.constant 0 : i32
    %dma_wait3A_126 = tpu.memref_slice %arg2[%dma_wait3A_125] : memref<75497472xf32, #tpu.memory_space<hbm>> -> memref<75497472xf32, #tpu.memory_space<hbm>>
    tpu.wait_indirect_dma semaphore(%arg7 : memref<!tpu.dma_semaphore, #tpu.memory_space<semaphore_mem>>) src(%dma_wait3A_126 : memref<75497472xf32, #tpu.memory_space<hbm>>) dst(%dma_wait3A_121 : memref<128xf32, #tpu.memory_space<vmem>>)
    %dma_wait3A_127 = arith.constant 7 : i32
    %dma_wait3A_128 = arith.constant 896 : i32
    %dma_wait3A_129 = tpu.memref_slice %arg6[%dma_wait3A_128] : memref<1152xf32, #tpu.memory_space<vmem>> -> memref<128xf32, #tpu.memory_space<vmem>>
    %dma_wait3A_130 = arith.constant 0 : i32
    %dma_wait3A_131 = tpu.memref_slice %arg5[%dma_wait3A_127, %dma_wait3A_130] : memref<16x128xi32, #tpu.memory_space<vmem>> -> memref<1x128xi32, #tpu.memory_space<vmem>>
    %dma_wait3A_132 = tpu.memref_squeeze %dma_wait3A_131 : memref<1x128xi32, #tpu.memory_space<vmem>> -> memref<128xi32, #tpu.memory_space<vmem>>
    %dma_wait3A_133 = arith.constant 0 : i32
    %dma_wait3A_134 = tpu.memref_slice %arg2[%dma_wait3A_133] : memref<75497472xf32, #tpu.memory_space<hbm>> -> memref<75497472xf32, #tpu.memory_space<hbm>>
    tpu.wait_indirect_dma semaphore(%arg7 : memref<!tpu.dma_semaphore, #tpu.memory_space<semaphore_mem>>) src(%dma_wait3A_134 : memref<75497472xf32, #tpu.memory_space<hbm>>) dst(%dma_wait3A_129 : memref<128xf32, #tpu.memory_space<vmem>>)
    %dma_wait3A_135 = arith.constant 8 : i32
    %dma_wait3A_136 = arith.constant 1024 : i32
    %dma_wait3A_137 = tpu.memref_slice %arg6[%dma_wait3A_136] : memref<1152xf32, #tpu.memory_space<vmem>> -> memref<128xf32, #tpu.memory_space<vmem>>
    %dma_wait3A_138 = arith.constant 0 : i32
    %dma_wait3A_139 = tpu.memref_slice %arg5[%dma_wait3A_135, %dma_wait3A_138] : memref<16x128xi32, #tpu.memory_space<vmem>> -> memref<1x128xi32, #tpu.memory_space<vmem>>
    %dma_wait3A_140 = tpu.memref_squeeze %dma_wait3A_139 : memref<1x128xi32, #tpu.memory_space<vmem>> -> memref<128xi32, #tpu.memory_space<vmem>>
    %dma_wait3A_141 = arith.constant 0 : i32
    %dma_wait3A_142 = tpu.memref_slice %arg2[%dma_wait3A_141] : memref<75497472xf32, #tpu.memory_space<hbm>> -> memref<75497472xf32, #tpu.memory_space<hbm>>
    tpu.wait_indirect_dma semaphore(%arg7 : memref<!tpu.dma_semaphore, #tpu.memory_space<semaphore_mem>>) src(%dma_wait3A_142 : memref<75497472xf32, #tpu.memory_space<hbm>>) dst(%dma_wait3A_137 : memref<128xf32, #tpu.memory_space<vmem>>)
    %mul3A_143 = arith.constant 1152 : i32
    %mul3A_144 = arith.muli %add3A, %mul3A_143 : i32
    "tpu.region"() ({
      %run_scoped3A = tpu.sem_alloc : memref<!tpu.dma_semaphore, #tpu.memory_space<semaphore_mem>>
      %dma_start3A_145 = tpu.memref_slice %arg4[%mul3A_144] : memref<36864xf32, #tpu.memory_space<hbm>> -> memref<1152xf32, #tpu.memory_space<hbm>>
      %dma_start3A_146 = tpu.memref_slice %arg4[%mul3A_144] : memref<36864xf32, #tpu.memory_space<hbm>> -> memref<1152xf32, #tpu.memory_space<hbm>>
      tpu.enqueue_dma source(%arg6 : memref<1152xf32, #tpu.memory_space<vmem>>) target(%dma_start3A_146 : memref<1152xf32, #tpu.memory_space<hbm>>) target_semaphore(%run_scoped3A : memref<!tpu.dma_semaphore, #tpu.memory_space<semaphore_mem>>)
      %dma_wait3A_147 = tpu.memref_slice %arg4[%mul3A_144] : memref<36864xf32, #tpu.memory_space<hbm>> -> memref<1152xf32, #tpu.memory_space<hbm>>
      %dma_wait3A_148 = tpu.memref_slice %arg4[%mul3A_144] : memref<36864xf32, #tpu.memory_space<hbm>> -> memref<1152xf32, #tpu.memory_space<hbm>>
      tpu.wait_dma2 semaphore(%run_scoped3A : memref<!tpu.dma_semaphore, #tpu.memory_space<semaphore_mem>>) src(%arg6 : memref<1152xf32, #tpu.memory_space<vmem>>) dst(%dma_wait3A_148 : memref<1152xf32, #tpu.memory_space<hbm>>)
      tpu.yield
    }) : () -> ()
    return
  }
}

</mosaic_0001>

<sc_bundles>
// kernel: kernel.3.cloned.1.call-start
scs
__scs_entry_jumppad:
0x0: {  	(pc) =	sbr.rel $0x88, $3  }
0x1: {  	(tag) =	ssettag $0x0;
	lr =	simm.s32 $0x1  }
0x2: {  	[smem:$0x3FA0] =	sst lr;
	_ =	strace $0xD0000000  }
0x3: {  	_ = 	snop  }
0x4: {  	_ = 	snop  }
0x5: {  	_ = 	snop  }
0x6: {  	_ = 	snop  }
0x7: {  	_ = 	snop  }
__scs_overlays_trampoline_lowered:
0x8: {  	[smem:$0x3FAF] =	sst s0  }
0x9: {  	[smem:$0x3FB0] =	sst s1  }
0xa: {  	[smem:$0x3FB1] =	sst s2  }
0xb: {  	[smem:$0x3FB2] =	sst s3  }
0xc: {  	[smem:$0x3FB3] =	sst s4  }
0xd: {  	[smem:$0x3FB4] =	sst s5  }
0xe: {  	[smem:$0x3FB5] =	sst s6  }
0xf: {  	[smem:$0x3FB6] =	sst s7  }
0x10: {  	[smem:$0x3FB7] =	sst s8  }
0x11: {  	[smem:$0x3FB8] =	sst s9;
	s0 =	simm.s32 @!p0 $0x0  }
0x12: {  	s1 =	sld [smem:$0x3F9E];
	s0 =	simm.s32 @p0 $0x1  }
0x13: {  	[smem:$0x3FB9] =	sst s0;
	s0 =	simm.s32 @!p1 $0x0  }
0x14: {  	s2 =	sld [smem:$0x3F9D];
	s0 =	simm.s32 @p1 $0x1  }
0x15: {  	[smem:$0x3FBA] =	sst s0;
	s0 =	simm.s32 @!p2 $0x0  }
0x16: {  	s3 =	sld [smem:$0x3FDB];
	s0 =	simm.s32 @p2 $0x1  }
0x17: {  	s4 =	simm.s32 $0x1BF5;
	[smem:$0x3FBC] =	sst s0  }
0x18: {  	s0 =	sld [smem:$0x3F9F];
	_ =	swait.ge [sflag:s4], $0x0  }
0x19: {  	s7 =	sld [smem:$0x3FA0]  }
0x1a: {  	s8 =	sadd.s32 $0xFFFFE003, lr  }
0x1b: {  	s9 =	sadd.s32 $0xFFFFFEF7, lr;
	s5 =	simm.s32 $0xFFFFFFFF;
	p2 =	slt.u32 s8, $0xFFFFF086  }
0x1c: {  	p1 =	slt.u32 s9, $0xF7A;
	s5 =	simm.s32 @!p2 $0x0  }
0x1d: {  	s5 =	simm.s32 @p1 $0x1;
	p0 =	seq.s32 s7, s2  }
0x1e: {  	s7 =	smul.u32 @!p0 $0xF7A, s2;
	p2 =	seq.s32 @!p0 s5, $0x0  }
0x1f: {  	s9 =	smul.u32 $0xF7A, s1;
	s8 =	simm.s32 @!p0 $0x1BF5;
	p2 =	por !p2, p0  }
0x20: {  	[sflag:s8] =	ssyncset.s32 @!p0 $0xFFFFF086;
	s6 =	sadd.s32 @!p0 s3, s7;
	s7 =	simm.s32 @!p0 $0x108  }
0x21: {  	s3 =	sadd.s32 s3, s9;
	s6 =	sadd.s32 @!p0 $0x88, s6;
	s7 =	simm.s32 @p2 $0x1082  }
0x22: {  	[simem:s7], [sflag:s8] =	dma.local @!p0 [hbm:s6], $0xF7A  }
0x23: {  	s9 =	sor.u32 $0xD0000000, s2;
	s6 =	simm.s32 $0x108;
	_ =	swait.ge @!p0 [sflag:s8], $0x0  }
0x24: {  	s3 =	sadd.s32 $0x88, s3;
	s6 =	simm.s32 @!p1 $0x1082;
	[sflag:s4] =	ssyncset.s32 $0xFFFFF086  }
0x25: {  	[simem:s6], [sflag:s4] =	dma.local [hbm:s3], $0xF7A  }
0x26: {  	[smem:$0x3FA0] =	sst s1;
	(tag) =	ssettag s2;
	_ =	strace s9  }
0x27: {  	s1 =	sld [smem:$0x3FB0]  }
0x28: {  	s2 =	sld [smem:$0x3FB1]  }
0x29: {  	s4 =	sld [smem:$0x3FB3]  }
0x2a: {  	p0 =	seq.s32 s5, $0x0;
	s5 =	sld [smem:$0x3FB4]  }
0x2b: {  	s6 =	sld [smem:$0x3FB5]  }
0x2c: {  	s7 =	sld [smem:$0x3FB6]  }
0x2d: {  	s3 =	simm.s32 $0x108;
	s8 =	sld [smem:$0x3FB7]  }
0x2e: {  	s3 =	simm.s32 @!p0 $0x1082;
	s9 =	sld [smem:$0x3FB8]  }
0x2f: {  	lr =	sadd.s32 s0, s3;
	s0 =	sld [smem:$0x3FAF]  }
0x30: {  	s3 =	sld [smem:$0x3FB2]  }
0x31: {  	[smem:$0x3FBB] =	sst s10  }
0x32: {  	s10 =	sld [smem:$0x3FB9];
	_ =	sdelay $0x3  }
0x33: {  	p0 =	seq.s32 s10, $0x1;
	s10 =	sld [smem:$0x3FBB];
	_ =	sdelay $0x3  }
0x34: {  	[smem:$0x3FBB] =	sst s10  }
0x35: {  	s10 =	sld [smem:$0x3FBA];
	_ =	sdelay $0x3  }
0x36: {  	p1 =	seq.s32 s10, $0x1;
	s10 =	sld [smem:$0x3FBB];
	_ =	sdelay $0x3  }
0x37: {  	[smem:$0x3FBB] =	sst s10  }
0x38: {  	s10 =	sld [smem:$0x3FBC]  }
0x39: {  	_ = 	snop;
	(pc) =	sbr.ind lr, $3  }
0x3a: {  	_ = 	snop  }
0x3b: {  	_ = 	snop  }
0x3c: {  	p2 =	seq.s32 s10, $0x1;
	s10 =	sld [smem:$0x3FBB]  }
0x3d: {  	_ =	shalt  }
0x3e: {  	_ =	shalt  }
0x3f: {  	_ =	shalt  }
0x40: {  	_ =	shalt  }
0x41: {  	_ =	shalt  }
0x42: {  	_ =	shalt  }
0x43: {  	_ =	shalt  }
0x44: {  	_ =	shalt  }
0x45: {  	_ =	shalt  }
0x46: {  	_ =	shalt  }
0x47: {  	_ =	shalt  }
0x48: {  	_ =	shalt  }
0x49: {  	_ =	shalt  }
0x4a: {  	_ =	shalt  }
0x4b: {  	_ =	shalt  }
0x4c: {  	_ =	shalt  }
0x4d: {  	_ =	shalt  }
0x4e: {  	_ =	shalt  }
0x4f: {  	_ =	shalt  }
0x50: {  	_ =	shalt  }
0x51: {  	_ =	shalt  }
0x52: {  	_ =	shalt  }
0x53: {  	_ =	shalt  }
0x54: {  	_ =	shalt  }
0x55: {  	_ =	shalt  }
0x56: {  	_ =	shalt  }
0x57: {  	_ =	shalt  }
0x58: {  	_ =	shalt  }
0x59: {  	_ =	shalt  }
0x5a: {  	_ =	shalt  }
0x5b: {  	_ =	shalt  }
0x5c: {  	_ =	shalt  }
0x5d: {  	_ =	shalt  }
0x5e: {  	_ =	shalt  }
0x5f: {  	_ =	shalt  }
0x60: {  	_ =	shalt  }
0x61: {  	_ =	shalt  }
0x62: {  	_ =	shalt  }
0x63: {  	_ =	shalt  }
0x64: {  	_ =	shalt  }
0x65: {  	_ =	shalt  }
0x66: {  	_ =	shalt  }
0x67: {  	_ =	shalt  }
0x68: {  	_ =	shalt  }
0x69: {  	_ =	shalt  }
0x6a: {  	_ =	shalt  }
0x6b: {  	_ =	shalt  }
0x6c: {  	_ =	shalt  }
0x6d: {  	_ =	shalt  }
0x6e: {  	_ =	shalt  }
0x6f: {  	_ =	shalt  }
0x70: {  	_ =	shalt  }
0x71: {  	_ =	shalt  }
0x72: {  	_ =	shalt  }
0x73: {  	_ =	shalt  }
0x74: {  	_ =	shalt  }
0x75: {  	_ =	shalt  }
0x76: {  	_ =	shalt  }
0x77: {  	_ =	shalt  }
0x78: {  	_ =	shalt  }
0x79: {  	_ =	shalt  }
0x7a: {  	_ =	shalt  }
0x7b: {  	_ =	shalt  }
0x7c: {  	_ =	shalt  }
0x7d: {  	_ =	shalt  }
0x7e: {  	_ =	shalt  }
0x7f: {  	_ =	shalt  }
0x80: {  	_ =	shalt  }
0x81: {  	_ =	shalt  }
0x82: {  	_ =	shalt  }
0x83: {  	_ =	shalt  }
0x84: {  	_ =	shalt  }
0x85: {  	_ =	shalt  }
0x86: {  	_ =	shalt  }
0x87: {  	_ =	shalt  }
.Lfunc_end0:
.L_simem_size_0:
called_computation_lowered:
.L_overlay_start_0:
0x88: {  	s2 =	sld [smem:$0x3FD9]  }
0x89: {  	s3 =	sld [smem:$0x3FFE];
	_ =	sdelay $0x1  }
0x8a: {  	s1 =	srdreg.scid  }
0x8b: {  	s0 =	sand.u32 $0x1, s1  }
0x8c: {  	s17 =	sshll.u32 s0, $0xA;
	s2 =	sadd.s32 s3, s2  }
0x8d: {  	s2 =	sadd.s32 s2, s17  }
0x8e: {  	[smem:$0x3FC7] =	sst s2  }
0x8f: {  	_ = 	snop  }
0x90: {  	s2 =	sld [smem:$0x3FC9]  }
0x91: {  	s18 =	sld [smem:$0x3FD0];
	(tm) =	ssettm $0x1  }
0x92: {  	s4 =	sld [smem:$0x3FFB];
	_ =	sdelay $0x3  }
0x93: {  	_ =	strace s4  }
0x94: {  	s4 =	sld [smem:$0x3FFC];
	_ =	sdelay $0x3  }
0x95: {  	_ =	strace s4  }
0x96: {  	s4 =	sld [smem:$0x3FFD];
	_ =	sdelay $0x3  }
0x97: {  	_ =	strace s4  }
0x98: {  	_ =	strace $0x8FFFFFFF  }
0x99: {  	s19 =	sld [smem:$0x3FDB];
	_ =	sdelay $0x1  }
0x9a: {  	s5 =	simm.s32 $_scs_section_size  }
0x9b: {  	s6 =	simm.s32 $_size__tile_overlayer_lowered;
	s7 =	simm.s32 $_tile_overlayer_lowered  }
0x9c: {  	s22 =	simm.s32 $0x1BFF;
	s21 =	sshll.u32 s7, $0x1;
	s4 =	sadd.s32 s5, s19  }
0x9d: {  	s8 =	simm.s32 $0x0;
	s20 =	sshll.u32 s6, $0x1;
	s6 =	sadd.s32 s21, s4  }
0x9e: {  	[timem:s8], [sflag:s22] =	dma.local [hbm:s6], s20  }
0x9f: {  	_ =	swait.ge [sflag:s22], s20  }
0xa0: {  	s5 =	ssub.s32 $0x0, s20;
	[sflag:s22] =	ssyncset.done $0x0  }
0xa1: {  	[sflag:s22] =	ssyncadd.s32 s5;
	_ =	sdelay $0x1  }
0xa2: {  	s23 =	simm.s32 $0x1B8B  }
0xa3: {  	_ =	swait.ge [sflag:s23], $0x1  }
0xa4: {  	[sflag:s23] =	ssyncset.done $0x0  }
0xa5: {  	s25 =	simm.s32 $0x1B8E;
	s24 =	sld [smem:$0x3FFE];
	[sflag:s23] =	ssyncadd.s32 $0xFFFFFFFF  }
0xa6: {  	s26 =	simm.s32 $execute0_lowered;
	[smem:$0x3FD2] =	sst s25  }
0xa7: {  	s6 =	sshll.u32 s26, $0x1;
	_ =	strace $0x80000046;
	[dreg:$0x1] =	wrdreg $0xFFFFFFFF  }
0xa8: {  	s28 =	simm.s32 $_size_execute0_lowered;
	s4 =	sadd.s32 s4, s6;
	[dreg:$0x0] =	wrdreg $0x0  }
0xa9: {  	s6 =	sshll.u32 s28, $0x1;
	[dreg:$0x2] =	wrdreg s4  }
0xaa: {  	[dreg:$0x3] =	wrdreg s6  }
0xab: {  	[dreg:$0x4] =	wrdreg $0xC0  }
0xac: {  	_ =	task [dreg:s8], $0x5FFFF  }
0xad: {  	[dreg:$0x1] =	wrdreg $0xFFFFFFFF  }
0xae: {  	[dreg:$0x0] =	wrdreg $0x60  }
0xaf: {  	[dreg:$0x2] =	wrdreg s2  }
0xb0: {  	[dreg:$0x3] =	wrdreg s24  }
0xb1: {  	[dreg:$0x4] =	wrdreg s18  }
0xb2: {  	[dreg:$0x5] =	wrdreg $0x9  }
0xb3: {  	_ =	task.clear_ibuf [dreg:s8], $0x6FFFF;
	_ =	strace $0x90000046  }
0xb4: {  	s29 =	simm.s32 $0x9;
	_ =	strace $0x80000048  }
0xb5: {  	_ =	swait.ge [sflag:s29], $0x1  }
0xb6: {  	[sflag:s29] =	ssyncadd.s32 $0xFFFFFFFF  }
0xb7: {  	_ =	strace $0x90000048  }
0xb8: {  	_ =	sfence  }
0xb9: {  	s30 =	sld [smem:$0x0];
	_ =	sdelay $0x2  }
0xba: {  	s31 =	sshll.u32 s1, $0xD;
	s1 =	sshrl.u32 s1, $0x2  }
0xbb: {  	s3 =	sand.u32 $0x4000, s31;
	s1 =	sadd.s32 s1, s30  }
0xbc: {  	s0 =	sor.u32 s3, s0;
	s1 =	sshll.u32 s1, $0x11  }
0xbd: {  	s0 =	sor.u32 s1, s0  }
0xbe: {  	s0 =	sadd.s32 $0x8F2B, s0  }
0xbf: {  	[sflag:s0] =	ssyncadd.remote.s32 $0x1  }
0xc0: {  	_ =	sfence.sel $0xFFFF  }
0xc1: {  	[dreg:$0x0] =	wrdreg $0xFFFFFFFF;
	(pc) =	sbr.abs _section_cstart, $3  }
0xc2: {  	[dreg:$0x1] =	wrdreg $0xFFFFFFFF  }
0xc3: {  	_ =	task.clear_ibuf [dreg:s8], $0x2FFFF;
	_ =	strace $0x9FFFFFFF  }
0xc4: {  	(tm) =	ssettm $0x7FFFFFFF  }
0xc5: {  	_ =	shalt  }
tec
execute0_lowered:
.L_overlay_start_1:
0x0: {  	(tag) =	ssettag $0x1  }
0x1: {  	s1 =	rddreg [dreg:$0x0]  }
0x2: {  	s2 =	srdreg.scid;
	s0 =	stileid.u32  }
0x3: {  	s4 =	rddreg [dreg:$0x1];
	s25 =	sand.u32 $0x1, s2;
	s31 =	sshll.u32 s0, $0x1  }
0x4: {  	s24 =	rddreg [dreg:$0x2];
	s26 =	sor.u32 s25, s31  }
0x5: {  	s3 =	simm.s32 $0x0;
	s2 =	rddreg [dreg:$0x3];
	s5 =	sshll.u32 s26, $0x8  }
0x6: {  	[smem:$0x7FF] =	sst s3;
	s4 =	sadd.s32 s5, s4  }
0x7: {  	_ =	strace $0x80000047;
	s5 =	sadd.s32 $0x400, s4;
	s4 =	simm.s32 $0x2  }
0x8: {  	[tilespmem:s3], [sflag:$0x2] =	stream.linear.gather [hbm4b:s5+s3], $0x800, $0x38;
	[tilespmem:$0xC80] =	vst v63  }
0x9: {  	_ =	swait.ge [sflag:s4], $0x800  }
0xa: {  	[sflag:s4] =	ssyncset.done $0x0  }
0xb: {  	s6 =	simm.s32 $0x80;
	s7 =	simm.s32 $0x800;
	[sflag:s4] =	ssyncadd.s32 $0xFFFFF800  }
0xc: {  	[tilespmem:s7], [sflag:$0x1] =	stream.indirect.gather [hbm4b:s1+s6], $0x1, s3, s6, $0xb8;
	[tilespmem:$0xC80] =	vst v63  }
0xd: {  	s8 =	simm.s32 $0x880  }
0xe: {  	[tilespmem:s8], [sflag:$0x1] =	stream.indirect.gather [hbm4b:s1+s6], $0x1, s6, s6, $0xb8;
	[tilespmem:$0xC80] =	vst v63  }
0xf: {  	s9 =	simm.s32 $0x100;
	s10 =	simm.s32 $0x900  }
0x10: {  	[tilespmem:s10], [sflag:$0x1] =	stream.indirect.gather [hbm4b:s1+s6], $0x1, s9, s6, $0xb8;
	[tilespmem:$0xC80] =	vst v63  }
0x11: {  	s11 =	simm.s32 $0x180;
	s12 =	simm.s32 $0x980  }
0x12: {  	[tilespmem:s12], [sflag:$0x1] =	stream.indirect.gather [hbm4b:s1+s6], $0x1, s11, s6, $0xb8;
	[tilespmem:$0xC80] =	vst v63  }
0x13: {  	s13 =	simm.s32 $0x200;
	s14 =	simm.s32 $0xA00  }
0x14: {  	[tilespmem:s14], [sflag:$0x1] =	stream.indirect.gather [hbm4b:s1+s6], $0x1, s13, s6, $0xb8;
	[tilespmem:$0xC80] =	vst v63  }
0x15: {  	s15 =	simm.s32 $0x280;
	s16 =	simm.s32 $0xA80  }
0x16: {  	[tilespmem:s16], [sflag:$0x1] =	stream.indirect.gather [hbm4b:s1+s6], $0x1, s15, s6, $0xb8;
	[tilespmem:$0xC80] =	vst v63  }
0x17: {  	s17 =	simm.s32 $0x300;
	s18 =	simm.s32 $0xB00  }
0x18: {  	[tilespmem:s18], [sflag:$0x1] =	stream.indirect.gather [hbm4b:s1+s6], $0x1, s17, s6, $0xb8;
	[tilespmem:$0xC80] =	vst v63  }
0x19: {  	s19 =	simm.s32 $0x380;
	s20 =	simm.s32 $0xB80  }
0x1a: {  	[tilespmem:s20], [sflag:$0x1] =	stream.indirect.gather [hbm4b:s1+s6], $0x1, s19, s6, $0xb8;
	[tilespmem:$0xC80] =	vst v63  }
0x1b: {  	s21 =	simm.s32 $0x400;
	s22 =	simm.s32 $0xC00;
	s23 =	simm.s32 $0x1  }
0x1c: {  	[tilespmem:s22], [sflag:$0x1] =	stream.indirect.gather [hbm4b:s1+s6], $0x1, s21, s6, $0xb8;
	[tilespmem:$0xC80] =	vst v63  }
0x1d: {  	_ =	swait.ge [sflag:s23], $0x80  }
0x1e: {  	[sflag:s23] =	ssyncset.done $0x0  }
0x1f: {  	[sflag:s23] =	ssyncadd.s32 $0xFFFFFF80  }
0x20: {  	_ =	swait.ge [sflag:s23], $0x80  }
0x21: {  	[sflag:s23] =	ssyncset.done $0x0  }
0x22: {  	[sflag:s23] =	ssyncadd.s32 $0xFFFFFF80  }
0x23: {  	_ =	swait.ge [sflag:s23], $0x80  }
0x24: {  	[sflag:s23] =	ssyncset.done $0x0  }
0x25: {  	[sflag:s23] =	ssyncadd.s32 $0xFFFFFF80  }
0x26: {  	_ =	swait.ge [sflag:s23], $0x80  }
0x27: {  	[sflag:s23] =	ssyncset.done $0x0  }
0x28: {  	[sflag:s23] =	ssyncadd.s32 $0xFFFFFF80  }
0x29: {  	_ =	swait.ge [sflag:s23], $0x80  }
0x2a: {  	[sflag:s23] =	ssyncset.done $0x0  }
0x2b: {  	[sflag:s23] =	ssyncadd.s32 $0xFFFFFF80  }
0x2c: {  	_ =	swait.ge [sflag:s23], $0x80  }
0x2d: {  	[sflag:s23] =	ssyncset.done $0x0  }
0x2e: {  	[sflag:s23] =	ssyncadd.s32 $0xFFFFFF80  }
0x2f: {  	_ =	swait.ge [sflag:s23], $0x80  }
0x30: {  	[sflag:s23] =	ssyncset.done $0x0  }
0x31: {  	s25 =	ssub.s32 $0x2, s25;
	[sflag:s23] =	ssyncadd.s32 $0xFFFFFF80  }
0x32: {  	s28 =	sshrl.u32 s25, $0x1;
	_ =	swait.ge [sflag:s23], $0x80  }
0x33: {  	s25 =	ssub.s32 s25, s28;
	[sflag:s23] =	ssyncset.done $0x0  }
0x34: {  	s25 =	smax.u32 s25, $0x1;
	[sflag:s23] =	ssyncadd.s32 $0xFFFFFF80  }
0x35: {  	s26 =	smul.u32 $0x90, s26;
	p0 =	sne.s32 s25, $0x1;
	_ =	swait.ge [sflag:s23], $0x80  }
.Ltmp0:
0x36: {  	[sflag:s23] =	ssyncset.done $0x0;
	(pc) =	sbr.rel @!p0 .LBB2_2-.Ltmp0, $4  }
0x37: {  	s24 =	sadd.s32 s24, s26;
	[sflag:s23] =	ssyncadd.s32 $0xFFFFFF80  }
0x38: {  	[hbm4b:s24+s3] =	stream.linear.scatter [tilespmem:s7], [sflag:$0x2], $0x480, $0x38;
	[tilespmem:$0xC80] =	vst v63  }
0x39: {  	_ =	swait.ge [sflag:s4], $0x480  }
0x3a: {  	s25 =	sadd.s32 $0xFFFFFFFF, s25;
	[sflag:s4] =	ssyncset.done $0x0  }
.LBB2_1:
0x3b: {  	p0 =	sne.s32 s25, $0x1;
	s25 =	sadd.s32 $0xFFFFFFFF, s25;
	[sflag:s4] =	ssyncadd.s32 $0xFFFFFB80  }
0x3c: {  	[tilespmem:s3], [sflag:$0x2] =	stream.linear.gather [hbm4b:s5+s3], $0x800, $0x38;
	[tilespmem:$0xC80] =	vst v63  }
0x3d: {  	_ =	swait.ge [sflag:s4], $0x800  }
0x3e: {  	[sflag:s4] =	ssyncset.done $0x0  }
0x3f: {  	[sflag:s4] =	ssyncadd.s32 $0xFFFFF800  }
0x40: {  	[tilespmem:s7], [sflag:$0x1] =	stream.indirect.gather [hbm4b:s1+s6], $0x1, s3, s6, $0xb8;
	[tilespmem:$0xC80] =	vst v63  }
0x41: {  	_ = 	snop  }
0x42: {  	[tilespmem:s8], [sflag:$0x1] =	stream.indirect.gather [hbm4b:s1+s6], $0x1, s6, s6, $0xb8;
	[tilespmem:$0xC80] =	vst v63  }
0x43: {  	_ = 	snop  }
0x44: {  	[tilespmem:s10], [sflag:$0x1] =	stream.indirect.gather [hbm4b:s1+s6], $0x1, s9, s6, $0xb8;
	[tilespmem:$0xC80] =	vst v63  }
0x45: {  	_ = 	snop  }
0x46: {  	[tilespmem:s12], [sflag:$0x1] =	stream.indirect.gather [hbm4b:s1+s6], $0x1, s11, s6, $0xb8;
	[tilespmem:$0xC80] =	vst v63  }
0x47: {  	_ = 	snop  }
0x48: {  	[tilespmem:s14], [sflag:$0x1] =	stream.indirect.gather [hbm4b:s1+s6], $0x1, s13, s6, $0xb8;
	[tilespmem:$0xC80] =	vst v63  }
0x49: {  	_ = 	snop  }
0x4a: {  	[tilespmem:s16], [sflag:$0x1] =	stream.indirect.gather [hbm4b:s1+s6], $0x1, s15, s6, $0xb8;
	[tilespmem:$0xC80] =	vst v63  }
0x4b: {  	_ = 	snop  }
0x4c: {  	[tilespmem:s18], [sflag:$0x1] =	stream.indirect.gather [hbm4b:s1+s6], $0x1, s17, s6, $0xb8;
	[tilespmem:$0xC80] =	vst v63  }
0x4d: {  	_ = 	snop  }
0x4e: {  	[tilespmem:s20], [sflag:$0x1] =	stream.indirect.gather [hbm4b:s1+s6], $0x1, s19, s6, $0xb8;
	[tilespmem:$0xC80] =	vst v63  }
0x4f: {  	_ = 	snop  }
0x50: {  	[tilespmem:s22], [sflag:$0x1] =	stream.indirect.gather [hbm4b:s1+s6], $0x1, s21, s6, $0xb8;
	[tilespmem:$0xC80] =	vst v63  }
0x51: {  	_ =	swait.ge [sflag:s23], $0x80  }
0x52: {  	[sflag:s23] =	ssyncset.done $0x0  }
0x53: {  	[sflag:s23] =	ssyncadd.s32 $0xFFFFFF80  }
0x54: {  	_ =	swait.ge [sflag:s23], $0x80  }
0x55: {  	[sflag:s23] =	ssyncset.done $0x0  }
0x56: {  	[sflag:s23] =	ssyncadd.s32 $0xFFFFFF80  }
0x57: {  	_ =	swait.ge [sflag:s23], $0x80  }
0x58: {  	[sflag:s23] =	ssyncset.done $0x0  }
0x59: {  	[sflag:s23] =	ssyncadd.s32 $0xFFFFFF80  }
0x5a: {  	_ =	swait.ge [sflag:s23], $0x80  }
0x5b: {  	[sflag:s23] =	ssyncset.done $0x0  }
0x5c: {  	[sflag:s23] =	ssyncadd.s32 $0xFFFFFF80  }
0x5d: {  	_ =	swait.ge [sflag:s23], $0x80  }
0x5e: {  	[sflag:s23] =	ssyncset.done $0x0  }
0x5f: {  	[sflag:s23] =	ssyncadd.s32 $0xFFFFFF80  }
0x60: {  	_ =	swait.ge [sflag:s23], $0x80  }
0x61: {  	[sflag:s23] =	ssyncset.done $0x0  }
0x62: {  	[sflag:s23] =	ssyncadd.s32 $0xFFFFFF80  }
0x63: {  	_ =	swait.ge [sflag:s23], $0x80  }
0x64: {  	[sflag:s23] =	ssyncset.done $0x0  }
0x65: {  	[sflag:s23] =	ssyncadd.s32 $0xFFFFFF80  }
0x66: {  	_ =	swait.ge [sflag:s23], $0x80  }
0x67: {  	[sflag:s23] =	ssyncset.done $0x0  }
0x68: {  	[sflag:s23] =	ssyncadd.s32 $0xFFFFFF80  }
0x69: {  	_ =	swait.ge [sflag:s23], $0x80  }
.Ltmp1:
0x6a: {  	[sflag:s23] =	ssyncset.done $0x0;
	(pc) =	sbr.rel @p0 .LBB2_1-.Ltmp1, $4  }
0x6b: {  	[sflag:s23] =	ssyncadd.s32 $0xFFFFFF80  }
0x6c: {  	[hbm4b:s24+s3] =	stream.linear.scatter [tilespmem:s7], [sflag:$0x2], $0x480, $0x38;
	[tilespmem:$0xC80] =	vst v63  }
0x6d: {  	_ =	swait.ge [sflag:s4], $0x480  }
0x6e: {  	[sflag:s4] =	ssyncset.done $0x0  }
.LBB2_2:
0x6f: {  	[sflag:s4] =	ssyncadd.s32 $0xFFFFFB80  }
0x70: {  	_ =	sfence.sel $0x180000  }
0x71: {  	[bflag:$0x0] =	sbarrier.arrive $0xFFFF  }
0x72: {  	p0 =	sne.s32 s0, $0x0;
	_ =	strace $0x90000047  }
0x73: {  	s0 =	sadd.s32 @!p0 $0x100000, s2;
	[bflag:$0x2] =	sbarrier.arrive $0xFFFF  }
0x74: {  	[sflag:s0] =	ssyncadd.tile.s32 @!p0 $0x1;
	_ =	shalt  }
.Lfunc_end2:
_tile_overlayer_lowered:
.L_overlay_start_2:
0x75: {  	(tag) =	ssettag $0x2  }
0x76: {  	s0 =	rddreg [dreg:$0x0];
	s2 =	stileid.u32  }
0x77: {  	s1 =	rddreg [dreg:$0x1];
	p0 =	sne.s32 s2, $0x0  }
0x78: {  	s3 =	rddreg [dreg:$0x2];
	[bflag:$0x3] =	sbarrier.arrive $0xFFFF;
	s2 =	simm.s32 @!p0 $0x1C02  }
0x79: {  	[timem:s3], [sflag:s2] =	dma.local @!p0 [hbm:s0], s1  }
0x7a: {  	s0 =	simm.s32 @!p0 $0x2  }
0x7b: {  	_ =	swait.ge @!p0 [sflag:s0], s1  }
0x7c: {  	s1 =	ssub.s32 @!p0 $0x0, s1;
	[sflag:s0] =	ssyncset.done @!p0 $0x0  }
0x7d: {  	[sflag:s0] =	ssyncadd.s32 @!p0 s1  }
0x7e: {  	[bflag:$0x3] =	sbarrier.arrive $0xFFFF  }
0x7f: {  	_ =	shalt  }

</sc_bundles>
